<compile_context>
chip_gen: v7x
topology: tpu7x:2x2x1
jax: 0.10.2.dev20260603
libtpu: 0.0.44.dev20260713+nightly
codegen_flags: <defaults>
</compile_context>

<pallas_src>
import functools

import jax
import jax.numpy as jnp
from jax import lax
from jax.experimental import pallas as pl
from jax.experimental.pallas import tpu as pltpu
from jax.experimental.pallas import tpu_sc as plsc

_HI = jax.lax.Precision.HIGHEST

_P_TC = 64


def _bank_kernel(x_ref, y_ref, b2_ref, k1_ref, k2_ref, k3_ref,
                 ym_ref, xfeat_ref):
    x = x_ref[...]
    x_feat = jnp.sum(x, axis=1) * 0.125
    xfeat_ref[...] = x_feat
    keys_un = jnp.dot(x_feat, b2_ref[...],
                      preferred_element_type=jnp.float32, precision=_HI)
    ss = jnp.sum(keys_un * keys_un, axis=-1, keepdims=True)
    nrm = jnp.maximum(jnp.sqrt(ss), 1e-12)
    keys = keys_un / nrm
    k1_ref[...] = keys
    k2_ref[...] = keys
    k3_ref[...] = keys
    y = y_ref[...]
    ym_ref[...] = jnp.sum(y, axis=1) * 0.125


def _make_ymean_sc(P0, P, N, M):
    NC = 2
    mesh = plsc.VectorSubcoreMesh(core_axis_name="c", subcore_axis_name="s")

    @functools.partial(
        pl.kernel,
        mesh=mesh,
        out_type=jax.ShapeDtypeStruct((P - P0, M), jnp.float32),
        scratch_types=[
            pltpu.VMEM((N, M), jnp.float32),
            pltpu.VMEM((M,), jnp.float32),
        ],
    )
    def ymean_sc(y_hbm, out_hbm, rows_v, acc_v):
        wid = lax.axis_index("s") * NC + lax.axis_index("c")
        pltpu.sync_copy(y_hbm.at[P0 + wid], rows_v)

        def do_chunk(i, _):
            s = i * 16
            v = rows_v[0, pl.ds(s, 16)]
            for c in range(1, N):
                v = v + rows_v[c, pl.ds(s, 16)]
            acc_v[pl.ds(s, 16)] = v * 0.125
            return 0

        lax.fori_loop(0, M // 16, do_chunk, 0)
        pltpu.sync_copy(acc_v, out_hbm.at[wid])

    return ymean_sc


def kernel(all_x, all_y, w_ext, b_ext, w_cp, b_cp, W_enc):
    M, T, N = all_x.shape
    P = all_y.shape[1]
    BINS, D = W_enc.shape

    xt = jnp.transpose(all_x, (0, 2, 1))
    yt = jnp.transpose(all_y, (1, 2, 0))

    B2 = jnp.repeat(W_enc, T // BINS, axis=0) / (T // BINS)

    ym_tail = _make_ymean_sc(_P_TC, P, N, M)(yt)

    BM = 256
    grid = (M // BM,)
    k1, k2, k3, ym_head, x_feat = pl.pallas_call(
        _bank_kernel,
        grid=grid,
        in_specs=[
            pl.BlockSpec((BM, N, T), lambda i: (i, 0, 0)),
            pl.BlockSpec((_P_TC, N, BM), lambda i: (0, 0, i)),
            pl.BlockSpec((T, D), lambda i: (0, 0)),
        ],
        out_specs=[
            pl.BlockSpec((BM, D), lambda i: (i, 0)),
            pl.BlockSpec((BM, D), lambda i: (i, 0)),
            pl.BlockSpec((BM, D), lambda i: (i, 0)),
            pl.BlockSpec((_P_TC, BM), lambda i: (0, i)),
            pl.BlockSpec((BM, T), lambda i: (i, 0)),
        ],
        out_shape=[
            jax.ShapeDtypeStruct((M, D), jnp.float32),
            jax.ShapeDtypeStruct((M, D), jnp.float32),
            jax.ShapeDtypeStruct((M, D), jnp.float32),
            jax.ShapeDtypeStruct((_P_TC, M), jnp.float32),
            jax.ShapeDtypeStruct((M, T), jnp.float32),
        ],
    )(xt, yt, B2)
    ym = jnp.concatenate([ym_head, ym_tail], axis=0).T

    extreme_probs = jax.nn.sigmoid(x_feat @ w_ext + b_ext)
    near_end_scores = jax.nn.sigmoid(x_feat[:, -64:] @ w_cp + b_cp)
    labels = jnp.zeros((M,), dtype=jnp.int32)
    labels = jnp.where(extreme_probs > 0.5, jnp.int32(1), labels)
    labels = jnp.where(near_end_scores > 0.5, jnp.int32(2), labels)
    return (k1, k2, k3, ym, labels)

# --- scband reference (transcript-rebuilt; emitter-appended) ---
"""Pipeline reference for scband-enhanced-multi-scale-memory-bank-50096498541206 (READ-ONLY COPY).

The authoritative reference and input builder live on the scoring server;
editing this copy changes nothing except your own understanding.
"""

import jax, jax.numpy as jnp
import numpy as np

DS_RATES = [1, 2, 4]
POOL_BINS = 32


def setup_inputs(seed: int = 0) -> dict:
    key = jax.random.key(seed)
    k1, k2, k3, k4, k5 = jax.random.split(key, 5)
    M, T, N = 8192, 512, 8
    pred_len, d_repr = 96, 128
    all_x = jax.random.normal(k1, (M, T, N), dtype=jnp.float32)
    all_y = jax.random.normal(k2, (M, pred_len, N), dtype=jnp.float32)
    # surrogate LogisticExtremeClassifier params (logistic over channel-mean features)
    w_ext = jax.random.normal(k3, (T,), dtype=jnp.float32) * 0.05
    b_ext = jnp.zeros((), dtype=jnp.float32)
    # surrogate BayesianChangePointDetector params (logistic over last 64 steps)
    w_cp = jax.random.normal(k4, (64,), dtype=jnp.float32) * 0.05
    b_cp = jnp.zeros((), dtype=jnp.float32)
    # surrogate LightweightPatternEncoder: 32-bin adaptive mean-pool + linear to d_repr
    W_enc = jax.random.normal(k5, (POOL_BINS, d_repr), dtype=jnp.float32) / np.sqrt(POOL_BINS)
    return {"all_x": all_x, "all_y": all_y, "w_ext": w_ext, "b_ext": b_ext,
            "w_cp": w_cp, "b_cp": b_cp, "W_enc": W_enc}


def _encode(x_flat, W_enc):
    # adaptive mean pooling to POOL_BINS segments, then linear projection
    M, L = x_flat.shape
    pooled = x_flat.reshape(M, POOL_BINS, L // POOL_BINS).mean(axis=-1)
    keys = pooled @ W_enc
    # F.normalize(keys, dim=-1)
    keys = keys / jnp.maximum(jnp.linalg.norm(keys, axis=-1, keepdims=True), 1e-12)
    return keys


def reference(all_x, all_y, w_ext, b_ext, w_cp, b_cp, W_enc):
    M, T, N = all_x.shape
    # y_mean = all_y.mean(dim=-1) -> [M, pred_len]
    y_mean = all_y.mean(axis=-1)
    # label annotation
    x_feat = all_x.mean(axis=-1)  # [M, T]
    extreme_probs = jax.nn.sigmoid(x_feat @ w_ext + b_ext)
    near_end_scores = jax.nn.sigmoid(x_feat[:, -64:] @ w_cp + b_cp)
    labels = jnp.zeros((M,), dtype=jnp.int32)
    labels = jnp.where(extreme_probs > 0.5, jnp.int32(1), labels)
    labels = jnp.where(near_end_scores > 0.5, jnp.int32(2), labels)
    # per-scale bank construction (set_bank stores keys, y_mean, labels)
    bank_keys = []
    for ds in DS_RATES:
        if ds > 1:
            trunc_T = (T // ds) * ds
            x_ds = all_x[:, :trunc_T, :].reshape(M, trunc_T // ds, ds, N).mean(axis=2)
        else:
            x_ds = all_x
        x_flat = x_ds.mean(axis=-1)  # [M, T//ds]
        bank_keys.append(_encode(x_flat, W_enc))
    return (*bank_keys, y_mean, labels)

if __name__ == "__main__":
    import jax
    _d = setup_inputs()
    print(jax.jit(kernel)(*tuple(_d.values())))

</pallas_src>

<mosaic_0001>
#map = affine_map<(d0, d1) -> (0, 0, 0)>
#map1 = affine_map<(d0, d1) -> (0, 0)>
module attributes {stable_mosaic.version = 14 : i64} {
  func.func @ymean_sc(%arg0: i32, %arg1: i32, %arg2: memref<96x8x8192xf32, #tpu.memory_space<hbm>>, %arg3: memref<32x8192xf32, #tpu.memory_space<hbm>>, %arg4: memref<8x8192xf32, #tpu.memory_space<vmem>>, %arg5: memref<8192xf32, #tpu.memory_space<vmem>>) attributes {dimension_semantics = [#tpu.dimension_semantics<core_parallel>, #tpu.dimension_semantics<subcore_parallel>], iteration_bounds = array<i64: 2, 16>, scalar_prefetch = 0 : i64, scratch_operands = 2 : i64, tpu.core_type = #tpu.core_type<sc_vector_subcore>, window_params = [{transform_indices = #map}, {transform_indices = #map1}]} {
    %mul3A = arith.constant 2 : i32
    %mul3A_0 = arith.muli %arg1, %mul3A : i32
    %add3A = arith.addi %mul3A_0, %arg0 : i32
    %add3A_1 = arith.constant 64 : i32
    %add3A_2 = arith.addi %add3A_1, %add3A : i32
    "tpu.region"() ({
      %run_scoped3A = tpu.sem_alloc : memref<!tpu.dma_semaphore, #tpu.memory_space<semaphore_mem>>
      %dma_start3A = arith.constant 0 : i32
      %dma_start3A_9 = arith.constant 0 : i32
      %dma_start3A_10 = tpu.memref_slice %arg2[%add3A_2, %dma_start3A, %dma_start3A_9] : memref<96x8x8192xf32, #tpu.memory_space<hbm>> -> memref<1x8x8192xf32, #tpu.memory_space<hbm>>
      %dma_start3A_11 = tpu.memref_squeeze %dma_start3A_10 : memref<1x8x8192xf32, #tpu.memory_space<hbm>> -> memref<8x8192xf32, #tpu.memory_space<hbm>>
      %dma_start3A_12 = arith.constant 0 : i32
      %dma_start3A_13 = arith.constant 0 : i32
      %dma_start3A_14 = tpu.memref_slice %arg2[%add3A_2, %dma_start3A_12, %dma_start3A_13] : memref<96x8x8192xf32, #tpu.memory_space<hbm>> -> memref<1x8x8192xf32, #tpu.memory_space<hbm>>
      %dma_start3A_15 = tpu.memref_squeeze %dma_start3A_14 : memref<1x8x8192xf32, #tpu.memory_space<hbm>> -> memref<8x8192xf32, #tpu.memory_space<hbm>>
      tpu.enqueue_dma source(%dma_start3A_15 : memref<8x8192xf32, #tpu.memory_space<hbm>>) target(%arg4 : memref<8x8192xf32, #tpu.memory_space<vmem>>) target_semaphore(%run_scoped3A : memref<!tpu.dma_semaphore, #tpu.memory_space<semaphore_mem>>)
      %dma_wait3A = arith.constant 0 : i32
      %dma_wait3A_16 = arith.constant 0 : i32
      %dma_wait3A_17 = tpu.memref_slice %arg2[%add3A_2, %dma_wait3A, %dma_wait3A_16] : memref<96x8x8192xf32, #tpu.memory_space<hbm>> -> memref<1x8x8192xf32, #tpu.memory_space<hbm>>
      %dma_wait3A_18 = tpu.memref_squeeze %dma_wait3A_17 : memref<1x8x8192xf32, #tpu.memory_space<hbm>> -> memref<8x8192xf32, #tpu.memory_space<hbm>>
      %dma_wait3A_19 = arith.constant 0 : i32
      %dma_wait3A_20 = arith.constant 0 : i32
      %dma_wait3A_21 = tpu.memref_slice %arg2[%add3A_2, %dma_wait3A_19, %dma_wait3A_20] : memref<96x8x8192xf32, #tpu.memory_space<hbm>> -> memref<1x8x8192xf32, #tpu.memory_space<hbm>>
      %dma_wait3A_22 = tpu.memref_squeeze %dma_wait3A_21 : memref<1x8x8192xf32, #tpu.memory_space<hbm>> -> memref<8x8192xf32, #tpu.memory_space<hbm>>
      tpu.wait_dma2 semaphore(%run_scoped3A : memref<!tpu.dma_semaphore, #tpu.memory_space<semaphore_mem>>) src(%dma_wait3A_22 : memref<8x8192xf32, #tpu.memory_space<hbm>>) dst(%arg4 : memref<8x8192xf32, #tpu.memory_space<vmem>>)
      tpu.yield
    }) : () -> ()
    %scan3A = arith.constant 0 : i32
    %scan3A_3 = arith.constant 0 : i32
    %scan3A_4 = arith.constant 512 : i32
    %scan3A_5 = arith.addi %scan3A_3, %scan3A_4 : i32
    %scan3A_6 = arith.constant 1 : i32
    %scan3A_7 = scf.for %scan3A_9 = %scan3A_3 to %scan3A_5 step %scan3A_6 iter_args(%scan3A_10 = %scan3A) -> (i32)  : i32 {
      %mul3A_11 = arith.constant 16 : i32
      %mul3A_12 = arith.muli %scan3A_9, %mul3A_11 : i32
      %get3A = arith.constant 0 : i32
      %get3A_13 = arith.index_cast %get3A : i32 to index
      %get3A_14 = arith.index_cast %mul3A_12 : i32 to index
      %get3A_15 = tpu.vector_load %arg4[%get3A_13, %get3A_14] {strides = array<i32>} : memref<8x8192xf32, #tpu.memory_space<vmem>>, vector<1x16xf32>,
      %get3A_16 = vector.shape_cast %get3A_15 : vector<1x16xf32> to vector<16xf32>
      %get3A_17 = arith.constant 1 : i32
      %get3A_18 = arith.index_cast %get3A_17 : i32 to index
      %get3A_19 = arith.index_cast %mul3A_12 : i32 to index
      %get3A_20 = tpu.vector_load %arg4[%get3A_18, %get3A_19] {strides = array<i32>} : memref<8x8192xf32, #tpu.memory_space<vmem>>, vector<1x16xf32>,
      %get3A_21 = vector.shape_cast %get3A_20 : vector<1x16xf32> to vector<16xf32>
      %add3A_22 = arith.addf %get3A_16, %get3A_21 : vector<16xf32>
      %get3A_23 = arith.constant 2 : i32
      %get3A_24 = arith.index_cast %get3A_23 : i32 to index
      %get3A_25 = arith.index_cast %mul3A_12 : i32 to index
      %get3A_26 = tpu.vector_load %arg4[%get3A_24, %get3A_25] {strides = array<i32>} : memref<8x8192xf32, #tpu.memory_space<vmem>>, vector<1x16xf32>,
      %get3A_27 = vector.shape_cast %get3A_26 : vector<1x16xf32> to vector<16xf32>
      %add3A_28 = arith.addf %add3A_22, %get3A_27 : vector<16xf32>
      %get3A_29 = arith.constant 3 : i32
      %get3A_30 = arith.index_cast %get3A_29 : i32 to index
      %get3A_31 = arith.index_cast %mul3A_12 : i32 to index
      %get3A_32 = tpu.vector_load %arg4[%get3A_30, %get3A_31] {strides = array<i32>} : memref<8x8192xf32, #tpu.memory_space<vmem>>, vector<1x16xf32>,
      %get3A_33 = vector.shape_cast %get3A_32 : vector<1x16xf32> to vector<16xf32>
      %add3A_34 = arith.addf %add3A_28, %get3A_33 : vector<16xf32>
      %get3A_35 = arith.constant 4 : i32
      %get3A_36 = arith.index_cast %get3A_35 : i32 to index
      %get3A_37 = arith.index_cast %mul3A_12 : i32 to index
      %get3A_38 = tpu.vector_load %arg4[%get3A_36, %get3A_37] {strides = array<i32>} : memref<8x8192xf32, #tpu.memory_space<vmem>>, vector<1x16xf32>,
      %get3A_39 = vector.shape_cast %get3A_38 : vector<1x16xf32> to vector<16xf32>
      %add3A_40 = arith.addf %add3A_34, %get3A_39 : vector<16xf32>
      %get3A_41 = arith.constant 5 : i32
      %get3A_42 = arith.index_cast %get3A_41 : i32 to index
      %get3A_43 = arith.index_cast %mul3A_12 : i32 to index
      %get3A_44 = tpu.vector_load %arg4[%get3A_42, %get3A_43] {strides = array<i32>} : memref<8x8192xf32, #tpu.memory_space<vmem>>, vector<1x16xf32>,
      %get3A_45 = vector.shape_cast %get3A_44 : vector<1x16xf32> to vector<16xf32>
      %add3A_46 = arith.addf %add3A_40, %get3A_45 : vector<16xf32>
      %get3A_47 = arith.constant 6 : i32
      %get3A_48 = arith.index_cast %get3A_47 : i32 to index
      %get3A_49 = arith.index_cast %mul3A_12 : i32 to index
      %get3A_50 = tpu.vector_load %arg4[%get3A_48, %get3A_49] {strides = array<i32>} : memref<8x8192xf32, #tpu.memory_space<vmem>>, vector<1x16xf32>,
      %get3A_51 = vector.shape_cast %get3A_50 : vector<1x16xf32> to vector<16xf32>
      %add3A_52 = arith.addf %add3A_46, %get3A_51 : vector<16xf32>
      %get3A_53 = arith.constant 7 : i32
      %get3A_54 = arith.index_cast %get3A_53 : i32 to index
      %get3A_55 = arith.index_cast %mul3A_12 : i32 to index
      %get3A_56 = tpu.vector_load %arg4[%get3A_54, %get3A_55] {strides = array<i32>} : memref<8x8192xf32, #tpu.memory_space<vmem>>, vector<1x16xf32>,
      %get3A_57 = vector.shape_cast %get3A_56 : vector<1x16xf32> to vector<16xf32>
      %add3A_58 = arith.addf %add3A_52, %get3A_57 : vector<16xf32>
      %mul3A_59 = arith.constant 1.250000e-01 : f32
      %mul3A_60 = vector.broadcast %mul3A_59 : f32 to vector<16xf32>
      %mul3A_61 = arith.mulf %add3A_58, %mul3A_60 : vector<16xf32>
      %swap3A = arith.index_cast %mul3A_12 : i32 to index
      %swap3A_62 = tpu.vector_load %arg5[%swap3A] {strides = array<i32>} : memref<8192xf32, #tpu.memory_space<vmem>>, vector<16xf32>,
      %swap3A_63 = vector.shape_cast %swap3A_62 : vector<16xf32> to vector<16xf32>
      %swap3A_64 = vector.shape_cast %mul3A_61 : vector<16xf32> to vector<16xf32>
      tpu.vector_store %arg5[%swap3A], %swap3A_64 {strides = array<i32>} : memref<8192xf32, #tpu.memory_space<vmem>>, vector<16xf32>,
      %scan3A_65 = arith.constant 0 : i32
      scf.yield %scan3A_65 : i32
    }
    %scan3A_8 = arith.constant 512 : i32
    "tpu.region"() ({
      %run_scoped3A = tpu.sem_alloc : memref<!tpu.dma_semaphore, #tpu.memory_space<semaphore_mem>>
      %dma_start3A = arith.constant 0 : i32
      %dma_start3A_9 = tpu.memref_slice %arg3[%add3A, %dma_start3A] : memref<32x8192xf32, #tpu.memory_space<hbm>> -> memref<1x8192xf32, #tpu.memory_space<hbm>>
      %dma_start3A_10 = tpu.memref_squeeze %dma_start3A_9 : memref<1x8192xf32, #tpu.memory_space<hbm>> -> memref<8192xf32, #tpu.memory_space<hbm>>
      %dma_start3A_11 = arith.constant 0 : i32
      %dma_start3A_12 = tpu.memref_slice %arg3[%add3A, %dma_start3A_11] : memref<32x8192xf32, #tpu.memory_space<hbm>> -> memref<1x8192xf32, #tpu.memory_space<hbm>>
      %dma_start3A_13 = tpu.memref_squeeze %dma_start3A_12 : memref<1x8192xf32, #tpu.memory_space<hbm>> -> memref<8192xf32, #tpu.memory_space<hbm>>
      tpu.enqueue_dma source(%arg5 : memref<8192xf32, #tpu.memory_space<vmem>>) target(%dma_start3A_13 : memref<8192xf32, #tpu.memory_space<hbm>>) target_semaphore(%run_scoped3A : memref<!tpu.dma_semaphore, #tpu.memory_space<semaphore_mem>>)
      %dma_wait3A = arith.constant 0 : i32
      %dma_wait3A_14 = tpu.memref_slice %arg3[%add3A, %dma_wait3A] : memref<32x8192xf32, #tpu.memory_space<hbm>> -> memref<1x8192xf32, #tpu.memory_space<hbm>>
      %dma_wait3A_15 = tpu.memref_squeeze %dma_wait3A_14 : memref<1x8192xf32, #tpu.memory_space<hbm>> -> memref<8192xf32, #tpu.memory_space<hbm>>
      %dma_wait3A_16 = arith.constant 0 : i32
      %dma_wait3A_17 = tpu.memref_slice %arg3[%add3A, %dma_wait3A_16] : memref<32x8192xf32, #tpu.memory_space<hbm>> -> memref<1x8192xf32, #tpu.memory_space<hbm>>
      %dma_wait3A_18 = tpu.memref_squeeze %dma_wait3A_17 : memref<1x8192xf32, #tpu.memory_space<hbm>> -> memref<8192xf32, #tpu.memory_space<hbm>>
      tpu.wait_dma2 semaphore(%run_scoped3A : memref<!tpu.dma_semaphore, #tpu.memory_space<semaphore_mem>>) src(%arg5 : memref<8192xf32, #tpu.memory_space<vmem>>) dst(%dma_wait3A_18 : memref<8192xf32, #tpu.memory_space<hbm>>)
      tpu.yield
    }) : () -> ()
    return
  }
}

module attributes {stable_mosaic.version = 14 : i64} {
  func.func @_bank_kernel(%arg0: i32, %arg1: memref<256x8x512xf32, #tpu.memory_space<vmem>>, %arg2: memref<64x8x256xf32, #tpu.memory_space<vmem>>, %arg3: memref<512x128xf32, #tpu.memory_space<vmem>>, %arg4: memref<256x128xf32, #tpu.memory_space<vmem>>, %arg5: memref<256x128xf32, #tpu.memory_space<vmem>>, %arg6: memref<256x128xf32, #tpu.memory_space<vmem>>, %arg7: memref<64x256xf32, #tpu.memory_space<vmem>>, %arg8: memref<256x512xf32, #tpu.memory_space<vmem>>) attributes {dimension_semantics = [#tpu.dimension_semantics<arbitrary>], iteration_bounds = array<i64: 32>, scalar_prefetch = 0 : i64, scratch_operands = 0 : i64, tpu.core_type = #tpu.core_type<tc>, window_params = [{transform_indices = @transform_0, window_bounds = array<i64: 256, 8, 512>}, {transform_indices = @transform_1, window_bounds = array<i64: 64, 8, 256>}, {pipeline_mode = #tpu.pipeline_mode<synchronous>, transform_indices = @transform_2, window_bounds = array<i64: 512, 128>}, {transform_indices = @transform_3, window_bounds = array<i64: 256, 128>}, {transform_indices = @transform_4, window_bounds = array<i64: 256, 128>}, {transform_indices = @transform_5, window_bounds = array<i64: 256, 128>}, {transform_indices = @transform_6, window_bounds = array<i64: 64, 256>}, {transform_indices = @transform_7, window_bounds = array<i64: 256, 512>}]} {
    %get3A = arith.constant 0 : index
    %get3A_0 = arith.constant 0 : index
    %get3A_1 = arith.constant 0 : index
    %get3A_2 = vector.load %arg1[%get3A, %get3A_0, %get3A_1] : memref<256x8x512xf32, #tpu.memory_space<vmem>>, vector<256x8x512xf32>
    %reduce_sum3A = arith.constant dense<0.000000e+00> : vector<256x512xf32>
    %reduce_sum3A_3 = vector.multi_reduction <add>, %get3A_2, %reduce_sum3A [1] : vector<256x8x512xf32> to vector<256x512xf32>
    %mul3A = arith.constant 1.250000e-01 : f32
    %mul3A_4 = vector.broadcast %mul3A : f32 to vector<256x512xf32>
    %mul3A_5 = arith.mulf %reduce_sum3A_3, %mul3A_4 : vector<256x512xf32>
    %swap3A = arith.constant 0 : index
    %swap3A_6 = arith.constant 0 : index
    %swap3A_7 = vector.load %arg8[%swap3A, %swap3A_6] : memref<256x512xf32, #tpu.memory_space<vmem>>, vector<256x512xf32>
    tpu.vector_store %arg8[%swap3A, %swap3A_6], %mul3A_5 {strides = array<i32>} : memref<256x512xf32, #tpu.memory_space<vmem>>, vector<256x512xf32>,
    %get3A_8 = arith.constant 0 : index
    %get3A_9 = arith.constant 0 : index
    %get3A_10 = vector.load %arg3[%get3A_8, %get3A_9] : memref<512x128xf32, #tpu.memory_space<vmem>>, vector<512x128xf32>
    %dot_general3A = arith.constant dense<0.000000e+00> : vector<256x128xf32>
    %dot_general3A_11 = tpu.matmul %mul3A_5, %get3A_10, %dot_general3A {dimension_numbers = #tpu.dot_dimension_numbers<[1], [0], [0], [1], [0, 0, 1, 1], [], []>, precision = #tpu.contract_precision<fp32>, transpose_lhs_hint = false} : vector<256x512xf32>, vector<512x128xf32>, vector<256x128xf32> -> vector<256x128xf32>
    %mul3A_12 = arith.mulf %dot_general3A_11, %dot_general3A_11 : vector<256x128xf32>
    %reduce_sum3A_13 = arith.constant dense<0.000000e+00> : vector<256xf32>
    %reduce_sum3A_14 = vector.multi_reduction <add>, %mul3A_12, %reduce_sum3A_13 [1] : vector<256x128xf32> to vector<256xf32>
    %broadcast_in_dim3A = vector.shape_cast %reduce_sum3A_14 : vector<256xf32> to vector<256x1xf32>
    %sqrt3A = math.sqrt %broadcast_in_dim3A : vector<256x1xf32>
    %max3A = arith.constant 9.99999996E-13 : f32
    %max3A_15 = vector.broadcast %max3A : f32 to vector<256x1xf32>
    %max3A_16 = arith.maximumf %sqrt3A, %max3A_15 : vector<256x1xf32>
    %div3A = vector.broadcast %max3A_16 : vector<256x1xf32> to vector<256x128xf32>
    %div3A_17 = arith.divf %dot_general3A_11, %div3A : vector<256x128xf32>
    %swap3A_18 = arith.constant 0 : index
    %swap3A_19 = arith.constant 0 : index
    %swap3A_20 = vector.load %arg4[%swap3A_18, %swap3A_19] : memref<256x128xf32, #tpu.memory_space<vmem>>, vector<256x128xf32>
    tpu.vector_store %arg4[%swap3A_18, %swap3A_19], %div3A_17 {strides = array<i32>} : memref<256x128xf32, #tpu.memory_space<vmem>>, vector<256x128xf32>,
    %swap3A_21 = arith.constant 0 : index
    %swap3A_22 = arith.constant 0 : index
    %swap3A_23 = vector.load %arg5[%swap3A_21, %swap3A_22] : memref<256x128xf32, #tpu.memory_space<vmem>>, vector<256x128xf32>
    tpu.vector_store %arg5[%swap3A_21, %swap3A_22], %div3A_17 {strides = array<i32>} : memref<256x128xf32, #tpu.memory_space<vmem>>, vector<256x128xf32>,
    %swap3A_24 = arith.constant 0 : index
    %swap3A_25 = arith.constant 0 : index
    %swap3A_26 = vector.load %arg6[%swap3A_24, %swap3A_25] : memref<256x128xf32, #tpu.memory_space<vmem>>, vector<256x128xf32>
    tpu.vector_store %arg6[%swap3A_24, %swap3A_25], %div3A_17 {strides = array<i32>} : memref<256x128xf32, #tpu.memory_space<vmem>>, vector<256x128xf32>,
    %get3A_27 = arith.constant 0 : index
    %get3A_28 = arith.constant 0 : index
    %get3A_29 = arith.constant 0 : index
    %get3A_30 = vector.load %arg2[%get3A_27, %get3A_28, %get3A_29] : memref<64x8x256xf32, #tpu.memory_space<vmem>>, vector<64x8x256xf32>
    %reduce_sum3A_31 = arith.constant dense<0.000000e+00> : vector<64x256xf32>
    %reduce_sum3A_32 = vector.multi_reduction <add>, %get3A_30, %reduce_sum3A_31 [1] : vector<64x8x256xf32> to vector<64x256xf32>
    %mul3A_33 = arith.constant 1.250000e-01 : f32
    %mul3A_34 = vector.broadcast %mul3A_33 : f32 to vector<64x256xf32>
    %mul3A_35 = arith.mulf %reduce_sum3A_32, %mul3A_34 : vector<64x256xf32>
    %swap3A_36 = arith.constant 0 : index
    %swap3A_37 = arith.constant 0 : index
    %swap3A_38 = vector.load %arg7[%swap3A_36, %swap3A_37] : memref<64x256xf32, #tpu.memory_space<vmem>>, vector<64x256xf32>
    tpu.vector_store %arg7[%swap3A_36, %swap3A_37], %mul3A_35 {strides = array<i32>} : memref<64x256xf32, #tpu.memory_space<vmem>>, vector<64x256xf32>,
    return
  }
  func.func @transform_0(%arg0: i32) -> (i32, i32, i32) {
    %c0_i32 = arith.constant 0 : i32
    %c0_i32_0 = arith.constant 0 : i32
    %c0_i32_1 = arith.constant 0 : i32
    return %arg0, %c0_i32, %c0_i32_0 : i32, i32, i32
  }
  func.func @transform_1(%arg0: i32) -> (i32, i32, i32) {
    %c0_i32 = arith.constant 0 : i32
    %c0_i32_0 = arith.constant 0 : i32
    %c0_i32_1 = arith.constant 0 : i32
    return %c0_i32, %c0_i32_0, %arg0 : i32, i32, i32
  }
  func.func @transform_2(%arg0: i32) -> (i32, i32) {
    %c0_i32 = arith.constant 0 : i32
    %c0_i32_0 = arith.constant 0 : i32
    %c0_i32_1 = arith.constant 0 : i32
    return %c0_i32, %c0_i32_0 : i32, i32
  }
  func.func @transform_3(%arg0: i32) -> (i32, i32) {
    %c0_i32 = arith.constant 0 : i32
    %c0_i32_0 = arith.constant 0 : i32
    return %arg0, %c0_i32 : i32, i32
  }
  func.func @transform_4(%arg0: i32) -> (i32, i32) {
    %c0_i32 = arith.constant 0 : i32
    %c0_i32_0 = arith.constant 0 : i32
    return %arg0, %c0_i32 : i32, i32
  }
  func.func @transform_5(%arg0: i32) -> (i32, i32) {
    %c0_i32 = arith.constant 0 : i32
    %c0_i32_0 = arith.constant 0 : i32
    return %arg0, %c0_i32 : i32, i32
  }
  func.func @transform_6(%arg0: i32) -> (i32, i32) {
    %c0_i32 = arith.constant 0 : i32
    %c0_i32_0 = arith.constant 0 : i32
    return %c0_i32, %arg0 : i32, i32
  }
  func.func @transform_7(%arg0: i32) -> (i32, i32) {
    %c0_i32 = arith.constant 0 : i32
    %c0_i32_0 = arith.constant 0 : i32
    return %arg0, %c0_i32 : i32, i32
  }
}

</mosaic_0001>

<sc_bundles>
// kernel: kernel.4.cloned.1.call-start
scs
__scs_entry_jumppad:
0x0: {  	(pc) =	sbr.rel $0x88, $3  }
0x1: {  	(tag) =	ssettag $0x0;
	lr =	simm.s32 $0x1  }
0x2: {  	[smem:$0x3F9A] =	sst lr;
	_ =	strace $0xD0000000  }
0x3: {  	_ = 	snop  }
0x4: {  	_ = 	snop  }
0x5: {  	_ = 	snop  }
0x6: {  	_ = 	snop  }
0x7: {  	_ = 	snop  }
__scs_overlays_trampoline_lowered:
0x8: {  	[smem:$0x3FA9] =	sst s0  }
0x9: {  	[smem:$0x3FAA] =	sst s1  }
0xa: {  	[smem:$0x3FAB] =	sst s2  }
0xb: {  	[smem:$0x3FAC] =	sst s3  }
0xc: {  	[smem:$0x3FAD] =	sst s4  }
0xd: {  	[smem:$0x3FAE] =	sst s5  }
0xe: {  	[smem:$0x3FAF] =	sst s6  }
0xf: {  	[smem:$0x3FB0] =	sst s7  }
0x10: {  	[smem:$0x3FB1] =	sst s8  }
0x11: {  	[smem:$0x3FB2] =	sst s9;
	s0 =	simm.s32 @!p0 $0x0  }
0x12: {  	s1 =	sld [smem:$0x3F98];
	s0 =	simm.s32 @p0 $0x1  }
0x13: {  	[smem:$0x3FB3] =	sst s0;
	s0 =	simm.s32 @!p1 $0x0  }
0x14: {  	s2 =	sld [smem:$0x3F97];
	s0 =	simm.s32 @p1 $0x1  }
0x15: {  	[smem:$0x3FB4] =	sst s0;
	s0 =	simm.s32 @!p2 $0x0  }
0x16: {  	s3 =	sld [smem:$0x3FDB];
	s0 =	simm.s32 @p2 $0x1  }
0x17: {  	s4 =	simm.s32 $0x1BF5;
	[smem:$0x3FB6] =	sst s0  }
0x18: {  	s0 =	sld [smem:$0x3F99];
	_ =	swait.ge [sflag:s4], $0x0  }
0x19: {  	s7 =	sld [smem:$0x3F9A]  }
0x1a: {  	s8 =	sadd.s32 $0xFFFFE003, lr  }
0x1b: {  	s9 =	sadd.s32 $0xFFFFFEF7, lr;
	s5 =	simm.s32 $0xFFFFFFFF;
	p2 =	slt.u32 s8, $0xFFFFF086  }
0x1c: {  	p1 =	slt.u32 s9, $0xF7A;
	s5 =	simm.s32 @!p2 $0x0  }
0x1d: {  	s5 =	simm.s32 @p1 $0x1;
	p0 =	seq.s32 s7, s2  }
0x1e: {  	s7 =	smul.u32 @!p0 $0xF7A, s2;
	p2 =	seq.s32 @!p0 s5, $0x0  }
0x1f: {  	s9 =	smul.u32 $0xF7A, s1;
	s8 =	simm.s32 @!p0 $0x1BF5;
	p2 =	por !p2, p0  }
0x20: {  	[sflag:s8] =	ssyncset.s32 @!p0 $0xFFFFF086;
	s6 =	sadd.s32 @!p0 s3, s7;
	s7 =	simm.s32 @!p0 $0x108  }
0x21: {  	s3 =	sadd.s32 s3, s9;
	s6 =	sadd.s32 @!p0 $0x88, s6;
	s7 =	simm.s32 @p2 $0x1082  }
0x22: {  	[simem:s7], [sflag:s8] =	dma.local @!p0 [hbm:s6], $0xF7A  }
0x23: {  	s9 =	sor.u32 $0xD0000000, s2;
	s6 =	simm.s32 $0x108;
	_ =	swait.ge @!p0 [sflag:s8], $0x0  }
0x24: {  	s3 =	sadd.s32 $0x88, s3;
	s6 =	simm.s32 @!p1 $0x1082;
	[sflag:s4] =	ssyncset.s32 $0xFFFFF086  }
0x25: {  	[simem:s6], [sflag:s4] =	dma.local [hbm:s3], $0xF7A  }
0x26: {  	[smem:$0x3F9A] =	sst s1;
	(tag) =	ssettag s2;
	_ =	strace s9  }
0x27: {  	s1 =	sld [smem:$0x3FAA]  }
0x28: {  	s2 =	sld [smem:$0x3FAB]  }
0x29: {  	s4 =	sld [smem:$0x3FAD]  }
0x2a: {  	p0 =	seq.s32 s5, $0x0;
	s5 =	sld [smem:$0x3FAE]  }
0x2b: {  	s6 =	sld [smem:$0x3FAF]  }
0x2c: {  	s7 =	sld [smem:$0x3FB0]  }
0x2d: {  	s3 =	simm.s32 $0x108;
	s8 =	sld [smem:$0x3FB1]  }
0x2e: {  	s3 =	simm.s32 @!p0 $0x1082;
	s9 =	sld [smem:$0x3FB2]  }
0x2f: {  	lr =	sadd.s32 s0, s3;
	s0 =	sld [smem:$0x3FA9]  }
0x30: {  	s3 =	sld [smem:$0x3FAC]  }
0x31: {  	[smem:$0x3FB5] =	sst s10  }
0x32: {  	s10 =	sld [smem:$0x3FB3];
	_ =	sdelay $0x3  }
0x33: {  	p0 =	seq.s32 s10, $0x1;
	s10 =	sld [smem:$0x3FB5];
	_ =	sdelay $0x3  }
0x34: {  	[smem:$0x3FB5] =	sst s10  }
0x35: {  	s10 =	sld [smem:$0x3FB4];
	_ =	sdelay $0x3  }
0x36: {  	p1 =	seq.s32 s10, $0x1;
	s10 =	sld [smem:$0x3FB5];
	_ =	sdelay $0x3  }
0x37: {  	[smem:$0x3FB5] =	sst s10  }
0x38: {  	s10 =	sld [smem:$0x3FB6]  }
0x39: {  	_ = 	snop;
	(pc) =	sbr.ind lr, $3  }
0x3a: {  	_ = 	snop  }
0x3b: {  	_ = 	snop  }
0x3c: {  	p2 =	seq.s32 s10, $0x1;
	s10 =	sld [smem:$0x3FB5]  }
0x3d: {  	_ =	shalt  }
0x3e: {  	_ =	shalt  }
0x3f: {  	_ =	shalt  }
0x40: {  	_ =	shalt  }
0x41: {  	_ =	shalt  }
0x42: {  	_ =	shalt  }
0x43: {  	_ =	shalt  }
0x44: {  	_ =	shalt  }
0x45: {  	_ =	shalt  }
0x46: {  	_ =	shalt  }
0x47: {  	_ =	shalt  }
0x48: {  	_ =	shalt  }
0x49: {  	_ =	shalt  }
0x4a: {  	_ =	shalt  }
0x4b: {  	_ =	shalt  }
0x4c: {  	_ =	shalt  }
0x4d: {  	_ =	shalt  }
0x4e: {  	_ =	shalt  }
0x4f: {  	_ =	shalt  }
0x50: {  	_ =	shalt  }
0x51: {  	_ =	shalt  }
0x52: {  	_ =	shalt  }
0x53: {  	_ =	shalt  }
0x54: {  	_ =	shalt  }
0x55: {  	_ =	shalt  }
0x56: {  	_ =	shalt  }
0x57: {  	_ =	shalt  }
0x58: {  	_ =	shalt  }
0x59: {  	_ =	shalt  }
0x5a: {  	_ =	shalt  }
0x5b: {  	_ =	shalt  }
0x5c: {  	_ =	shalt  }
0x5d: {  	_ =	shalt  }
0x5e: {  	_ =	shalt  }
0x5f: {  	_ =	shalt  }
0x60: {  	_ =	shalt  }
0x61: {  	_ =	shalt  }
0x62: {  	_ =	shalt  }
0x63: {  	_ =	shalt  }
0x64: {  	_ =	shalt  }
0x65: {  	_ =	shalt  }
0x66: {  	_ =	shalt  }
0x67: {  	_ =	shalt  }
0x68: {  	_ =	shalt  }
0x69: {  	_ =	shalt  }
0x6a: {  	_ =	shalt  }
0x6b: {  	_ =	shalt  }
0x6c: {  	_ =	shalt  }
0x6d: {  	_ =	shalt  }
0x6e: {  	_ =	shalt  }
0x6f: {  	_ =	shalt  }
0x70: {  	_ =	shalt  }
0x71: {  	_ =	shalt  }
0x72: {  	_ =	shalt  }
0x73: {  	_ =	shalt  }
0x74: {  	_ =	shalt  }
0x75: {  	_ =	shalt  }
0x76: {  	_ =	shalt  }
0x77: {  	_ =	shalt  }
0x78: {  	_ =	shalt  }
0x79: {  	_ =	shalt  }
0x7a: {  	_ =	shalt  }
0x7b: {  	_ =	shalt  }
0x7c: {  	_ =	shalt  }
0x7d: {  	_ =	shalt  }
0x7e: {  	_ =	shalt  }
0x7f: {  	_ =	shalt  }
0x80: {  	_ =	shalt  }
0x81: {  	_ =	shalt  }
0x82: {  	_ =	shalt  }
0x83: {  	_ =	shalt  }
0x84: {  	_ =	shalt  }
0x85: {  	_ =	shalt  }
0x86: {  	_ =	shalt  }
0x87: {  	_ =	shalt  }
.Lfunc_end0:
.L_simem_size_0:
called_computation_lowered:
.L_overlay_start_0:
0x88: {  	s2 =	sld [smem:$0x3FD9]  }
0x89: {  	s3 =	sld [smem:$0x3FFE];
	_ =	sdelay $0x1  }
0x8a: {  	s1 =	srdreg.scid  }
0x8b: {  	s0 =	sand.u32 $0x1, s1  }
0x8c: {  	s17 =	sshll.u32 s0, $0xA;
	s2 =	sadd.s32 s3, s2  }
0x8d: {  	s2 =	sadd.s32 s2, s17  }
0x8e: {  	[smem:$0x3FC1] =	sst s2  }
0x8f: {  	_ = 	snop  }
0x90: {  	s2 =	sld [smem:$0x3FC8];
	(tm) =	ssettm $0x1  }
0x91: {  	s18 =	sld [smem:$0x3FFB];
	_ =	sdelay $0x3  }
0x92: {  	_ =	strace s18  }
0x93: {  	s3 =	sld [smem:$0x3FFC];
	_ =	sdelay $0x3  }
0x94: {  	_ =	strace s3  }
0x95: {  	s3 =	sld [smem:$0x3FFD];
	_ =	sdelay $0x3  }
0x96: {  	_ =	strace s3  }
0x97: {  	_ =	strace $0x8FFFFFFF  }
0x98: {  	s19 =	sld [smem:$0x3FDB];
	_ =	sdelay $0x1  }
0x99: {  	s4 =	simm.s32 $_scs_section_size  }
0x9a: {  	s5 =	simm.s32 $_size__tile_overlayer_lowered;
	s6 =	simm.s32 $_tile_overlayer_lowered  }
0x9b: {  	s22 =	simm.s32 $0x1BFF;
	s21 =	sshll.u32 s6, $0x1;
	s3 =	sadd.s32 s4, s19  }
0x9c: {  	s7 =	simm.s32 $0x0;
	s20 =	sshll.u32 s5, $0x1;
	s5 =	sadd.s32 s21, s3  }
0x9d: {  	[timem:s7], [sflag:s22] =	dma.local [hbm:s5], s20  }
0x9e: {  	_ =	swait.ge [sflag:s22], s20  }
0x9f: {  	s4 =	ssub.s32 $0x0, s20;
	[sflag:s22] =	ssyncset.done $0x0  }
0xa0: {  	[sflag:s22] =	ssyncadd.s32 s4;
	_ =	sdelay $0x1  }
0xa1: {  	s23 =	simm.s32 $0x1B8B  }
0xa2: {  	_ =	swait.ge [sflag:s23], $0x1  }
0xa3: {  	[sflag:s23] =	ssyncset.done $0x0  }
0xa4: {  	s25 =	simm.s32 $0x1B8E;
	s24 =	sld [smem:$0x3FFE];
	[sflag:s23] =	ssyncadd.s32 $0xFFFFFFFF  }
0xa5: {  	s26 =	simm.s32 $execute0_lowered;
	[smem:$0x3FD2] =	sst s25  }
0xa6: {  	s5 =	sshll.u32 s26, $0x1;
	_ =	strace $0x80000046;
	[dreg:$0x1] =	wrdreg $0xFFFFFFFF  }
0xa7: {  	s28 =	simm.s32 $_size_execute0_lowered;
	s3 =	sadd.s32 s3, s5;
	[dreg:$0x0] =	wrdreg $0x0  }
0xa8: {  	s5 =	sshll.u32 s28, $0x1;
	[dreg:$0x2] =	wrdreg s3  }
0xa9: {  	[dreg:$0x3] =	wrdreg s5  }
0xaa: {  	[dreg:$0x4] =	wrdreg $0xC0  }
0xab: {  	_ =	task [dreg:s7], $0x5FFFF  }
0xac: {  	[dreg:$0x1] =	wrdreg $0xFFFFFFFF  }
0xad: {  	[dreg:$0x0] =	wrdreg $0x60  }
0xae: {  	[dreg:$0x2] =	wrdreg s2  }
0xaf: {  	[dreg:$0x3] =	wrdreg s24  }
0xb0: {  	[dreg:$0x4] =	wrdreg $0x9  }
0xb1: {  	_ =	task.clear_ibuf [dreg:s7], $0x5FFFF;
	_ =	strace $0x90000046  }
0xb2: {  	s29 =	simm.s32 $0x9;
	_ =	strace $0x80000048  }
0xb3: {  	_ =	swait.ge [sflag:s29], $0x1  }
0xb4: {  	[sflag:s29] =	ssyncadd.s32 $0xFFFFFFFF  }
0xb5: {  	_ =	strace $0x90000048  }
0xb6: {  	_ =	sfence  }
0xb7: {  	s30 =	sld [smem:$0x0];
	_ =	sdelay $0x2  }
0xb8: {  	s31 =	sshll.u32 s1, $0xD;
	s1 =	sshrl.u32 s1, $0x2  }
0xb9: {  	s3 =	sand.u32 $0x4000, s31;
	s1 =	sadd.s32 s1, s30  }
0xba: {  	s0 =	sor.u32 s3, s0;
	s1 =	sshll.u32 s1, $0x11  }
0xbb: {  	s0 =	sor.u32 s1, s0  }
0xbc: {  	s0 =	sadd.s32 $0x8F2B, s0  }
0xbd: {  	[sflag:s0] =	ssyncadd.remote.s32 $0x1  }
0xbe: {  	_ =	sfence.sel $0xFFFF  }
0xbf: {  	[dreg:$0x0] =	wrdreg $0xFFFFFFFF;
	(pc) =	sbr.abs _section_cstart, $3  }
0xc0: {  	[dreg:$0x1] =	wrdreg $0xFFFFFFFF  }
0xc1: {  	_ =	task.clear_ibuf [dreg:s7], $0x2FFFF;
	_ =	strace $0x9FFFFFFF  }
0xc2: {  	(tm) =	ssettm $0x7FFFFFFF  }
0xc3: {  	_ =	shalt  }
tec
execute0_lowered:
.L_overlay_start_1:
0x0: {  	(tag) =	ssettag $0x1  }
0x1: {  	s3 =	rddreg [dreg:$0x0]  }
0x2: {  	s4 =	rddreg [dreg:$0x1]  }
0x3: {  	s0 =	rddreg [dreg:$0x2]  }
0x4: {  	s2 =	simm.s32 $0x0;
	s1 =	stileid.u32;
	s5 =	srdreg.scid  }
0x5: {  	s9 =	simm.s32 $0x10000;
	s10 =	simm.s32 $0x0;
	s6 =	sshll.u32 s1, $0xB  }
0x6: {  	s5 =	sand.u32 $0x1, s5;
	s7 =	sshll.u32 s1, $0x1;
	[smem:$0x7FF] =	sst s2  }
0x7: {  	s6 =	sand.u32 $0x6000, s6;
	s7 =	sor.u32 s5, s7;
	_ =	strace $0x80000047  }
0x8: {  	s5 =	ssub.s32 $0x2, s5;
	s4 =	sadd.s32 s6, s4;
	s31 =	sshll.u32 s7, $0x4  }
0x9: {  	s7 =	sshll.u32 s7, $0xD;
	s8 =	sshrl.u32 s5, $0x1;
	s6 =	sand.u32 $0x70, s31  }
0xa: {  	s3 =	sadd.s32 s7, s3;
	s5 =	ssub.s32 s5, s8;
	s7 =	simm.s32 $0x80  }
0xb: {  	s8 =	simm.s32 $0x400;
	s4 =	sadd.s32 s6, s4;
	s3 =	sadd.s32 $0x80000, s3  }
0xc: {  	s5 =	smax.u32 s5, $0x1;
	s6 =	simm.s32 $0x1;
	s4 =	sadd.s32 $0xC00, s4  }
.LBB2_1:
0xd: {  	[tilespmem:s2], [sflag:$0x1] =	stream.linear.gather [hbm4b:s3+s2], $0x10000, $0x38;
	[tilespmem:$0x12000] =	vst v63  }
0xe: {  	_ =	swait.ge [sflag:s6], $0x10000  }
0xf: {  	s11 =	sand.u32 $0x70, s2;
	s12 =	sand.u32 $0xFC00, s2;
	[sflag:s6] =	ssyncset.done $0x0  }
0x10: {  	s11 =	sor.u32 s11, s12;
	[sflag:s6] =	ssyncadd.s32 $0xFFFF0000  }
0x11: {  	v0 =	vld [tilespmem:s11+$0x80]  }
0x12: {  	v1 =	vld [tilespmem:s11+$0x0];
	_ =	sdelay $0x1  }
0x13: {  	v2 =	vld [tilespmem:s11+$0x100];
	_ =	sdelay $0x1  }
0x14: {  	v3 =	vld [tilespmem:s11+$0x180]  }
0x15: {  	v0 =	vadd.f32 v0, v1  }
0x16: {  	v60 =	vld [tilespmem:s11+$0x200]  }
0x17: {  	v0 =	vadd.f32 v2, v0  }
0x18: {  	v61 =	vld [tilespmem:s11+$0x280]  }
0x19: {  	v0 =	vadd.f32 v3, v0  }
0x1a: {  	v62 =	vld [tilespmem:s11+$0x300]  }
0x1b: {  	v0 =	vadd.f32 v60, v0  }
0x1c: {  	v63 =	vld [tilespmem:s11+$0x380]  }
0x1d: {  	v0 =	vadd.f32 v61, v0;
	_ =	sdelay $0x1  }
0x1e: {  	v0 =	vadd.f32 v62, v0;
	_ =	sdelay $0x1  }
0x1f: {  	v0 =	vadd.f32 v63, v0;
	_ =	sdelay $0x1  }
0x20: {  	s31 =	simm.s32 $0x10;
	s12 =	simm.s32 $0x80;
	v0 =	vmul.f32 $1.250000000e-01, v0  }
0x21: {  	s13 =	sand.u32 $0xFC00, s12;
	s11 =	sand.u32 $0x70, s31  }
0x22: {  	s14 =	sor.u32 s11, s13;
	s13 =	simm.s32 $0x20;
	s11 =	simm.s32 $0x10000;
	[tilespmem:s9+$0x0] =	vst v0  }
.LBB2_2:
0x23: {  	p0 =	sne.s32 s13, $0x1FF0;
	v0 =	vld [tilespmem:s14+$0x80]  }
0x24: {  	v1 =	vld [tilespmem:s14+$0x0];
	_ =	sdelay $0x1  }
0x25: {  	v2 =	vld [tilespmem:s14+$0x100];
	_ =	sdelay $0x1  }
0x26: {  	v3 =	vld [tilespmem:s14+$0x180]  }
0x27: {  	v0 =	vadd.f32 v0, v1  }
0x28: {  	v1 =	vld [tilespmem:s14+$0x200]  }
0x29: {  	v0 =	vadd.f32 v2, v0  }
0x2a: {  	v2 =	vld [tilespmem:s14+$0x280]  }
0x2b: {  	v0 =	vadd.f32 v3, v0  }
0x2c: {  	v3 =	vld [tilespmem:s14+$0x300]  }
0x2d: {  	v0 =	vadd.f32 v1, v0  }
0x2e: {  	v1 =	vld [tilespmem:s14+$0x380]  }
0x2f: {  	v0 =	vadd.f32 v2, v0;
	_ =	sdelay $0x1  }
0x30: {  	v0 =	vadd.f32 v3, v0;
	_ =	sdelay $0x1  }
.Ltmp0:
0x31: {  	v0 =	vadd.f32 v1, v0;
	(pc) =	sbr.rel @p0 .LBB2_2-.Ltmp0, $4  }
0x32: {  	_ = 	snop  }
0x33: {  	s12 =	sadd.s32 $0x80, s12;
	v0 =	vmul.f32 $1.250000000e-01, v0  }
0x34: {  	s11 =	sadd.s32 $0x10, s11;
	s15 =	sand.u32 $0xFC00, s12;
	s14 =	sand.u32 $0x70, s13  }
0x35: {  	s13 =	sadd.s32 $0x10, s13;
	s14 =	sor.u32 s14, s15;
	[tilespmem:s11+$0x0] =	vst v0  }
0x36: {  	v0 =	vld [tilespmem:s14+$0x80]  }
0x37: {  	v1 =	vld [tilespmem:s14+$0x0];
	_ =	sdelay $0x1  }
0x38: {  	v2 =	vld [tilespmem:s14+$0x100];
	_ =	sdelay $0x1  }
0x39: {  	v3 =	vld [tilespmem:s14+$0x180]  }
0x3a: {  	v0 =	vadd.f32 v0, v1  }
0x3b: {  	v60 =	vld [tilespmem:s14+$0x200]  }
0x3c: {  	v0 =	vadd.f32 v2, v0  }
0x3d: {  	v61 =	vld [tilespmem:s14+$0x280]  }
0x3e: {  	v0 =	vadd.f32 v3, v0  }
0x3f: {  	v62 =	vld [tilespmem:s14+$0x300]  }
0x40: {  	v0 =	vadd.f32 v60, v0  }
0x41: {  	v63 =	vld [tilespmem:s14+$0x380]  }
0x42: {  	v0 =	vadd.f32 v61, v0;
	_ =	sdelay $0x1  }
0x43: {  	v0 =	vadd.f32 v62, v0;
	_ =	sdelay $0x1  }
0x44: {  	v0 =	vadd.f32 v63, v0;
	_ =	sdelay $0x1  }
0x45: {  	s10 =	sadd.s32 $0x1, s10;
	v0 =	vmul.f32 $1.250000000e-01, v0  }
0x46: {  	s11 =	sadd.s32 $0x10, s11;
	p0 =	sne.s32 s10, s5  }
.Ltmp1:
0x47: {  	[tilespmem:s11+$0x0] =	vst v0;
	(pc) =	sbr.rel @p0 .LBB2_1-.Ltmp1, $4  }
0x48: {  	[hbm4b:s4+s7] =	stream.strided.scatter [tilespmem:s9], [sflag:$0x1], $0x2000, s8, s7, $0x38;
	[tilespmem:$0x12000] =	vst v63  }
0x49: {  	_ =	swait.ge [sflag:s6], $0x2000  }
0x4a: {  	[sflag:s6] =	ssyncset.done $0x0  }
0x4b: {  	[sflag:s6] =	ssyncadd.s32 $0xFFFFE000  }
0x4c: {  	_ =	sfence.sel $0x180000  }
0x4d: {  	[bflag:$0x0] =	sbarrier.arrive $0xFFFF  }
0x4e: {  	p0 =	sne.s32 s1, $0x0;
	_ =	strace $0x90000047  }
0x4f: {  	s0 =	sadd.s32 @!p0 $0x100000, s0;
	[bflag:$0x2] =	sbarrier.arrive $0xFFFF  }
0x50: {  	[sflag:s0] =	ssyncadd.tile.s32 @!p0 $0x1;
	_ =	shalt  }
.Lfunc_end2:
_tile_overlayer_lowered:
.L_overlay_start_2:
0x51: {  	(tag) =	ssettag $0x2  }
0x52: {  	s0 =	rddreg [dreg:$0x0];
	s2 =	stileid.u32  }
0x53: {  	s1 =	rddreg [dreg:$0x1];
	p0 =	sne.s32 s2, $0x0  }
0x54: {  	s3 =	rddreg [dreg:$0x2];
	[bflag:$0x3] =	sbarrier.arrive $0xFFFF;
	s2 =	simm.s32 @!p0 $0x1C01  }
0x55: {  	[timem:s3], [sflag:s2] =	dma.local @!p0 [hbm:s0], s1  }
0x56: {  	s0 =	simm.s32 @!p0 $0x1  }
0x57: {  	_ =	swait.ge @!p0 [sflag:s0], s1  }
0x58: {  	s1 =	ssub.s32 @!p0 $0x0, s1;
	[sflag:s0] =	ssyncset.done @!p0 $0x0  }
0x59: {  	[sflag:s0] =	ssyncadd.s32 @!p0 s1  }
0x5a: {  	[bflag:$0x3] =	sbarrier.arrive $0xFFFF  }
0x5b: {  	_ =	shalt  }

</sc_bundles>
